<compile_context>
chip_gen: v7x
topology: tpu7x:2x2x1
jax: 0.10.2.dev20260603
libtpu: 0.0.44.dev20260713+nightly
codegen_flags: <defaults>
</compile_context>

<pallas_src>
import functools

import jax
import jax.numpy as jnp
from jax import lax
from jax.experimental import pallas as pl
from jax.experimental.pallas import tpu as pltpu
from jax.experimental.pallas import tpu_sc as plsc


_NC = 2
_NS = 16
_NW = _NC * _NS
_N_ROWS = 320000
_RPW = _N_ROWS // _NW
_CHUNK = 200
_NBUF = 2
_NCHUNK = _RPW // _CHUNK


def _sc_colsum_body(x_hbm, out_hbm, buf_ref, acc_ref, sem0, sem1):
    c = lax.axis_index("c")
    s = lax.axis_index("s")
    wid = s * _NC + c
    base = wid * _RPW
    sems = (sem0, sem1)

    for b in range(_NBUF):
        pltpu.make_async_copy(
            x_hbm.at[pl.ds(base + b * _CHUNK, _CHUNK)], buf_ref.at[b], sems[b]
        ).start()

    def outer(g, acc):
        for b in range(_NBUF):
            chunk = g * _NBUF + b
            row0 = base + chunk * _CHUNK
            pltpu.make_async_copy(
                x_hbm.at[pl.ds(row0, _CHUNK)], buf_ref.at[b], sems[b]
            ).wait()

            def inner(r, a):
                return tuple(
                    a[j] + buf_ref[b, r, pl.ds(16 * j, 16)] for j in range(8)
                )

            acc = lax.fori_loop(0, _CHUNK, inner, acc)

            nxt = chunk + _NBUF

            @pl.when(nxt < _NCHUNK)
            def _prefetch():
                pltpu.make_async_copy(
                    x_hbm.at[pl.ds(base + nxt * _CHUNK, _CHUNK)],
                    buf_ref.at[b],
                    sems[b],
                ).start()

        return acc

    acc0 = tuple(jnp.zeros((16,), jnp.float32) for _ in range(8))
    acc = lax.fori_loop(0, _NCHUNK // _NBUF, outer, acc0)

    for j in range(8):
        acc_ref[pl.ds(16 * j, 16)] = acc[j]
    pltpu.sync_copy(acc_ref, out_hbm.at[wid])


_sc_colsum = pl.kernel(
    _sc_colsum_body,
    out_type=jax.ShapeDtypeStruct((_NW, 128), jnp.float32),
    mesh=plsc.VectorSubcoreMesh(core_axis_name="c", subcore_axis_name="s"),
    scratch_types=[
        pltpu.VMEM((_NBUF, _CHUNK, 128), jnp.float32),
        pltpu.VMEM((128,), jnp.float32),
        pltpu.SemaphoreType.DMA,
        pltpu.SemaphoreType.DMA,
    ],
)


def kernel(x):
    partials = _sc_colsum(x)
    return partials.sum(axis=0, keepdims=True)

# --- scband reference (transcript-rebuilt; emitter-appended) ---
"""Pipeline reference for scband-equivariant-vec-to-scalar-2164663517815 (READ-ONLY COPY).

The authoritative reference and input builder live on the scoring server;
editing this copy changes nothing except your own understanding.
"""

import jax, jax.numpy as jnp
import numpy as np

MEAN = 0.0
REDUCE_OP = "sum"


def setup_inputs(seed: int = 0) -> dict:
    key = jax.random.key(seed)
    x = jax.random.normal(key, (320000, 128), dtype=jnp.float32)
    return {"x": x}


def reference(x):
    # batch = zeros -> every row belongs to segment 0 (single-graph batch)
    batch = jnp.zeros((x.shape[0],), dtype=jnp.int32)
    if REDUCE_OP == "sum":
        y = jax.ops.segment_sum(x, batch, num_segments=1)
    elif REDUCE_OP == "mean":
        s = jax.ops.segment_sum(x, batch, num_segments=1)
        cnt = jax.ops.segment_sum(jnp.ones((x.shape[0],), dtype=x.dtype), batch, num_segments=1)
        y = s / jnp.maximum(cnt, 1.0)[:, None]
    elif REDUCE_OP == "max":
        y = jax.ops.segment_max(x, batch, num_segments=1)
    else:
        raise ValueError(REDUCE_OP)
    return y + MEAN

if __name__ == "__main__":
    import jax
    _d = setup_inputs()
    print(jax.jit(kernel)(*tuple(_d.values())))

</pallas_src>

<mosaic_0001>
#map = affine_map<(d0, d1) -> (0, 0)>
module attributes {stable_mosaic.version = 14 : i64} {
  func.func @_sc_colsum_body(%arg0: i32, %arg1: i32, %arg2: memref<320000x128xf32, #tpu.memory_space<hbm>>, %arg3: memref<32x128xf32, #tpu.memory_space<hbm>>, %arg4: memref<2x200x128xf32, #tpu.memory_space<vmem>>, %arg5: memref<128xf32, #tpu.memory_space<vmem>>, %arg6: memref<!tpu.dma_semaphore, #tpu.memory_space<semaphore_mem>>, %arg7: memref<!tpu.dma_semaphore, #tpu.memory_space<semaphore_mem>>) attributes {dimension_semantics = [#tpu.dimension_semantics<core_parallel>, #tpu.dimension_semantics<subcore_parallel>], iteration_bounds = array<i64: 2, 16>, scalar_prefetch = 0 : i64, scratch_operands = 4 : i64, tpu.core_type = #tpu.core_type<sc_vector_subcore>, window_params = [{transform_indices = #map}, {transform_indices = #map}]} {
    %mul3A = arith.constant 2 : i32
    %mul3A_0 = arith.muli %arg1, %mul3A : i32
    %add3A = arith.addi %mul3A_0, %arg0 : i32
    %mul3A_1 = arith.constant 10000 : i32
    %mul3A_2 = arith.muli %add3A, %mul3A_1 : i32
    %add3A_3 = arith.constant 0 : i32
    %add3A_4 = arith.addi %mul3A_2, %add3A_3 : i32
    %dma_start3A = arith.constant 0 : i32
    %dma_start3A_5 = arith.constant 0 : i32
    %dma_start3A_6 = arith.constant 0 : i32
    %dma_start3A_7 = tpu.memref_slice %arg4[%dma_start3A, %dma_start3A_5, %dma_start3A_6] : memref<2x200x128xf32, #tpu.memory_space<vmem>> -> memref<1x200x128xf32, #tpu.memory_space<vmem>>
    %dma_start3A_8 = tpu.memref_squeeze %dma_start3A_7 : memref<1x200x128xf32, #tpu.memory_space<vmem>> -> memref<200x128xf32, #tpu.memory_space<vmem>>
    %dma_start3A_9 = arith.constant 0 : i32
    %dma_start3A_10 = tpu.memref_slice %arg2[%add3A_4, %dma_start3A_9] : memref<320000x128xf32, #tpu.memory_space<hbm>> -> memref<200x128xf32, #tpu.memory_space<hbm>>
    %dma_start3A_11 = arith.constant 0 : i32
    %dma_start3A_12 = arith.constant 0 : i32
    %dma_start3A_13 = tpu.memref_slice %arg4[%dma_start3A, %dma_start3A_11, %dma_start3A_12] : memref<2x200x128xf32, #tpu.memory_space<vmem>> -> memref<1x200x128xf32, #tpu.memory_space<vmem>>
    %dma_start3A_14 = tpu.memref_squeeze %dma_start3A_13 : memref<1x200x128xf32, #tpu.memory_space<vmem>> -> memref<200x128xf32, #tpu.memory_space<vmem>>
    %dma_start3A_15 = arith.constant 0 : i32
    %dma_start3A_16 = tpu.memref_slice %arg2[%add3A_4, %dma_start3A_15] : memref<320000x128xf32, #tpu.memory_space<hbm>> -> memref<200x128xf32, #tpu.memory_space<hbm>>
    tpu.enqueue_dma source(%dma_start3A_16 : memref<200x128xf32, #tpu.memory_space<hbm>>) target(%dma_start3A_14 : memref<200x128xf32, #tpu.memory_space<vmem>>) target_semaphore(%arg6 : memref<!tpu.dma_semaphore, #tpu.memory_space<semaphore_mem>>)
    %add3A_17 = arith.constant 200 : i32
    %add3A_18 = arith.addi %mul3A_2, %add3A_17 : i32
    %dma_start3A_19 = arith.constant 1 : i32
    %dma_start3A_20 = arith.constant 0 : i32
    %dma_start3A_21 = arith.constant 0 : i32
    %dma_start3A_22 = tpu.memref_slice %arg4[%dma_start3A_19, %dma_start3A_20, %dma_start3A_21] : memref<2x200x128xf32, #tpu.memory_space<vmem>> -> memref<1x200x128xf32, #tpu.memory_space<vmem>>
    %dma_start3A_23 = tpu.memref_squeeze %dma_start3A_22 : memref<1x200x128xf32, #tpu.memory_space<vmem>> -> memref<200x128xf32, #tpu.memory_space<vmem>>
    %dma_start3A_24 = arith.constant 0 : i32
    %dma_start3A_25 = tpu.memref_slice %arg2[%add3A_18, %dma_start3A_24] : memref<320000x128xf32, #tpu.memory_space<hbm>> -> memref<200x128xf32, #tpu.memory_space<hbm>>
    %dma_start3A_26 = arith.constant 0 : i32
    %dma_start3A_27 = arith.constant 0 : i32
    %dma_start3A_28 = tpu.memref_slice %arg4[%dma_start3A_19, %dma_start3A_26, %dma_start3A_27] : memref<2x200x128xf32, #tpu.memory_space<vmem>> -> memref<1x200x128xf32, #tpu.memory_space<vmem>>
    %dma_start3A_29 = tpu.memref_squeeze %dma_start3A_28 : memref<1x200x128xf32, #tpu.memory_space<vmem>> -> memref<200x128xf32, #tpu.memory_space<vmem>>
    %dma_start3A_30 = arith.constant 0 : i32
    %dma_start3A_31 = tpu.memref_slice %arg2[%add3A_18, %dma_start3A_30] : memref<320000x128xf32, #tpu.memory_space<hbm>> -> memref<200x128xf32, #tpu.memory_space<hbm>>
    tpu.enqueue_dma source(%dma_start3A_31 : memref<200x128xf32, #tpu.memory_space<hbm>>) target(%dma_start3A_29 : memref<200x128xf32, #tpu.memory_space<vmem>>) target_semaphore(%arg7 : memref<!tpu.dma_semaphore, #tpu.memory_space<semaphore_mem>>)
    %broadcast_in_dim3A = arith.constant 0.000000e+00 : f32
    %broadcast_in_dim3A_32 = vector.broadcast %broadcast_in_dim3A : f32 to vector<16xf32>
    %broadcast_in_dim3A_33 = arith.constant 0.000000e+00 : f32
    %broadcast_in_dim3A_34 = vector.broadcast %broadcast_in_dim3A_33 : f32 to vector<16xf32>
    %broadcast_in_dim3A_35 = arith.constant 0.000000e+00 : f32
    %broadcast_in_dim3A_36 = vector.broadcast %broadcast_in_dim3A_35 : f32 to vector<16xf32>
    %broadcast_in_dim3A_37 = arith.constant 0.000000e+00 : f32
    %broadcast_in_dim3A_38 = vector.broadcast %broadcast_in_dim3A_37 : f32 to vector<16xf32>
    %broadcast_in_dim3A_39 = arith.constant 0.000000e+00 : f32
    %broadcast_in_dim3A_40 = vector.broadcast %broadcast_in_dim3A_39 : f32 to vector<16xf32>
    %broadcast_in_dim3A_41 = arith.constant 0.000000e+00 : f32
    %broadcast_in_dim3A_42 = vector.broadcast %broadcast_in_dim3A_41 : f32 to vector<16xf32>
    %broadcast_in_dim3A_43 = arith.constant 0.000000e+00 : f32
    %broadcast_in_dim3A_44 = vector.broadcast %broadcast_in_dim3A_43 : f32 to vector<16xf32>
    %broadcast_in_dim3A_45 = arith.constant 0.000000e+00 : f32
    %broadcast_in_dim3A_46 = vector.broadcast %broadcast_in_dim3A_45 : f32 to vector<16xf32>
    %scan3A = arith.constant 0 : i32
    %scan3A_47 = arith.constant 25 : i32
    %scan3A_48 = arith.addi %scan3A, %scan3A_47 : i32
    %scan3A_49 = arith.constant 1 : i32
    %scan3A_50:8 = scf.for %scan3A_83 = %scan3A to %scan3A_48 step %scan3A_49 iter_args(%scan3A_84 = %broadcast_in_dim3A_32, %scan3A_85 = %broadcast_in_dim3A_34, %scan3A_86 = %broadcast_in_dim3A_36, %scan3A_87 = %broadcast_in_dim3A_38, %scan3A_88 = %broadcast_in_dim3A_40, %scan3A_89 = %broadcast_in_dim3A_42, %scan3A_90 = %broadcast_in_dim3A_44, %scan3A_91 = %broadcast_in_dim3A_46) -> (vector<16xf32>, vector<16xf32>, vector<16xf32>, vector<16xf32>, vector<16xf32>, vector<16xf32>, vector<16xf32>, vector<16xf32>)  : i32 {
      %mul3A_92 = arith.constant 2 : i32
      %mul3A_93 = arith.muli %scan3A_83, %mul3A_92 : i32
      %add3A_94 = arith.constant 0 : i32
      %add3A_95 = arith.addi %mul3A_93, %add3A_94 : i32
      %mul3A_96 = arith.constant 200 : i32
      %mul3A_97 = arith.muli %add3A_95, %mul3A_96 : i32
      %add3A_98 = arith.addi %mul3A_2, %mul3A_97 : i32
      %dma_wait3A = arith.constant 0 : i32
      %dma_wait3A_99 = arith.constant 0 : i32
      %dma_wait3A_100 = arith.constant 0 : i32
      %dma_wait3A_101 = tpu.memref_slice %arg4[%dma_wait3A, %dma_wait3A_99, %dma_wait3A_100] : memref<2x200x128xf32, #tpu.memory_space<vmem>> -> memref<1x200x128xf32, #tpu.memory_space<vmem>>
      %dma_wait3A_102 = tpu.memref_squeeze %dma_wait3A_101 : memref<1x200x128xf32, #tpu.memory_space<vmem>> -> memref<200x128xf32, #tpu.memory_space<vmem>>
      %dma_wait3A_103 = arith.constant 0 : i32
      %dma_wait3A_104 = tpu.memref_slice %arg2[%add3A_98, %dma_wait3A_103] : memref<320000x128xf32, #tpu.memory_space<hbm>> -> memref<200x128xf32, #tpu.memory_space<hbm>>
      %dma_wait3A_105 = arith.constant 0 : i32
      %dma_wait3A_106 = arith.constant 0 : i32
      %dma_wait3A_107 = tpu.memref_slice %arg4[%dma_wait3A, %dma_wait3A_105, %dma_wait3A_106] : memref<2x200x128xf32, #tpu.memory_space<vmem>> -> memref<1x200x128xf32, #tpu.memory_space<vmem>>
      %dma_wait3A_108 = tpu.memref_squeeze %dma_wait3A_107 : memref<1x200x128xf32, #tpu.memory_space<vmem>> -> memref<200x128xf32, #tpu.memory_space<vmem>>
      %dma_wait3A_109 = arith.constant 0 : i32
      %dma_wait3A_110 = tpu.memref_slice %arg2[%add3A_98, %dma_wait3A_109] : memref<320000x128xf32, #tpu.memory_space<hbm>> -> memref<200x128xf32, #tpu.memory_space<hbm>>
      tpu.wait_dma2 semaphore(%arg6 : memref<!tpu.dma_semaphore, #tpu.memory_space<semaphore_mem>>) src(%dma_wait3A_110 : memref<200x128xf32, #tpu.memory_space<hbm>>) dst(%dma_wait3A_108 : memref<200x128xf32, #tpu.memory_space<vmem>>)
      %scan3A_111 = arith.constant 0 : i32
      %scan3A_112 = arith.constant 200 : i32
      %scan3A_113 = arith.addi %scan3A_111, %scan3A_112 : i32
      %scan3A_114 = arith.constant 1 : i32
      %scan3A_115:8 = scf.for %scan3A_154 = %scan3A_111 to %scan3A_113 step %scan3A_114 iter_args(%scan3A_155 = %scan3A_84, %scan3A_156 = %scan3A_85, %scan3A_157 = %scan3A_86, %scan3A_158 = %scan3A_87, %scan3A_159 = %scan3A_88, %scan3A_160 = %scan3A_89, %scan3A_161 = %scan3A_90, %scan3A_162 = %scan3A_91) -> (vector<16xf32>, vector<16xf32>, vector<16xf32>, vector<16xf32>, vector<16xf32>, vector<16xf32>, vector<16xf32>, vector<16xf32>)  : i32 {
        %get3A = arith.constant 0 : i32
        %get3A_163 = arith.index_cast %get3A : i32 to index
        %get3A_164 = arith.index_cast %scan3A_154 : i32 to index
        %get3A_165 = arith.constant 0 : index
        %get3A_166 = tpu.vector_load %arg4[%get3A_163, %get3A_164, %get3A_165] {strides = array<i32>} : memref<2x200x128xf32, #tpu.memory_space<vmem>>, vector<1x1x16xf32>,
        %get3A_167 = vector.shape_cast %get3A_166 : vector<1x1x16xf32> to vector<16xf32>
        %add3A_168 = arith.addf %scan3A_155, %get3A_167 : vector<16xf32>
        %get3A_169 = arith.constant 0 : i32
        %get3A_170 = arith.index_cast %get3A_169 : i32 to index
        %get3A_171 = arith.index_cast %scan3A_154 : i32 to index
        %get3A_172 = arith.constant 16 : index
        %get3A_173 = tpu.vector_load %arg4[%get3A_170, %get3A_171, %get3A_172] {strides = array<i32>} : memref<2x200x128xf32, #tpu.memory_space<vmem>>, vector<1x1x16xf32>,
        %get3A_174 = vector.shape_cast %get3A_173 : vector<1x1x16xf32> to vector<16xf32>
        %add3A_175 = arith.addf %scan3A_156, %get3A_174 : vector<16xf32>
        %get3A_176 = arith.constant 0 : i32
        %get3A_177 = arith.index_cast %get3A_176 : i32 to index
        %get3A_178 = arith.index_cast %scan3A_154 : i32 to index
        %get3A_179 = arith.constant 32 : index
        %get3A_180 = tpu.vector_load %arg4[%get3A_177, %get3A_178, %get3A_179] {strides = array<i32>} : memref<2x200x128xf32, #tpu.memory_space<vmem>>, vector<1x1x16xf32>,
        %get3A_181 = vector.shape_cast %get3A_180 : vector<1x1x16xf32> to vector<16xf32>
        %add3A_182 = arith.addf %scan3A_157, %get3A_181 : vector<16xf32>
        %get3A_183 = arith.constant 0 : i32
        %get3A_184 = arith.index_cast %get3A_183 : i32 to index
        %get3A_185 = arith.index_cast %scan3A_154 : i32 to index
        %get3A_186 = arith.constant 48 : index
        %get3A_187 = tpu.vector_load %arg4[%get3A_184, %get3A_185, %get3A_186] {strides = array<i32>} : memref<2x200x128xf32, #tpu.memory_space<vmem>>, vector<1x1x16xf32>,
        %get3A_188 = vector.shape_cast %get3A_187 : vector<1x1x16xf32> to vector<16xf32>
        %add3A_189 = arith.addf %scan3A_158, %get3A_188 : vector<16xf32>
        %get3A_190 = arith.constant 0 : i32
        %get3A_191 = arith.index_cast %get3A_190 : i32 to index
        %get3A_192 = arith.index_cast %scan3A_154 : i32 to index
        %get3A_193 = arith.constant 64 : index
        %get3A_194 = tpu.vector_load %arg4[%get3A_191, %get3A_192, %get3A_193] {strides = array<i32>} : memref<2x200x128xf32, #tpu.memory_space<vmem>>, vector<1x1x16xf32>,
        %get3A_195 = vector.shape_cast %get3A_194 : vector<1x1x16xf32> to vector<16xf32>
        %add3A_196 = arith.addf %scan3A_159, %get3A_195 : vector<16xf32>
        %get3A_197 = arith.constant 0 : i32
        %get3A_198 = arith.index_cast %get3A_197 : i32 to index
        %get3A_199 = arith.index_cast %scan3A_154 : i32 to index
        %get3A_200 = arith.constant 80 : index
        %get3A_201 = tpu.vector_load %arg4[%get3A_198, %get3A_199, %get3A_200] {strides = array<i32>} : memref<2x200x128xf32, #tpu.memory_space<vmem>>, vector<1x1x16xf32>,
        %get3A_202 = vector.shape_cast %get3A_201 : vector<1x1x16xf32> to vector<16xf32>
        %add3A_203 = arith.addf %scan3A_160, %get3A_202 : vector<16xf32>
        %get3A_204 = arith.constant 0 : i32
        %get3A_205 = arith.index_cast %get3A_204 : i32 to index
        %get3A_206 = arith.index_cast %scan3A_154 : i32 to index
        %get3A_207 = arith.constant 96 : index
        %get3A_208 = tpu.vector_load %arg4[%get3A_205, %get3A_206, %get3A_207] {strides = array<i32>} : memref<2x200x128xf32, #tpu.memory_space<vmem>>, vector<1x1x16xf32>,
        %get3A_209 = vector.shape_cast %get3A_208 : vector<1x1x16xf32> to vector<16xf32>
        %add3A_210 = arith.addf %scan3A_161, %get3A_209 : vector<16xf32>
        %get3A_211 = arith.constant 0 : i32
        %get3A_212 = arith.index_cast %get3A_211 : i32 to index
        %get3A_213 = arith.index_cast %scan3A_154 : i32 to index
        %get3A_214 = arith.constant 112 : index
        %get3A_215 = tpu.vector_load %arg4[%get3A_212, %get3A_213, %get3A_214] {strides = array<i32>} : memref<2x200x128xf32, #tpu.memory_space<vmem>>, vector<1x1x16xf32>,
        %get3A_216 = vector.shape_cast %get3A_215 : vector<1x1x16xf32> to vector<16xf32>
        %add3A_217 = arith.addf %scan3A_162, %get3A_216 : vector<16xf32>
        scf.yield %add3A_168, %add3A_175, %add3A_182, %add3A_189, %add3A_196, %add3A_203, %add3A_210, %add3A_217 : vector<16xf32>, vector<16xf32>, vector<16xf32>, vector<16xf32>, vector<16xf32>, vector<16xf32>, vector<16xf32>, vector<16xf32>
      }
      %scan3A_116 = arith.constant 200 : i32
      %add3A_117 = arith.constant 2 : i32
      %add3A_118 = arith.addi %add3A_95, %add3A_117 : i32
      %lt3A = arith.constant 50 : i32
      %lt3A_119 = arith.cmpi slt, %add3A_118, %lt3A : i32
      %convert_element_type3A = arith.extui %lt3A_119 : i1 to i32
      %cond3A = arith.constant 0 : i32
      %cond3A_120 = arith.cmpi ne, %convert_element_type3A, %cond3A : i32
      scf.if %cond3A_120 {
        %mul3A_154 = arith.constant 200 : i32
        %mul3A_155 = arith.muli %add3A_118, %mul3A_154 : i32
        %add3A_156 = arith.addi %mul3A_2, %mul3A_155 : i32
        %dma_start3A_157 = arith.constant 0 : i32
        %dma_start3A_158 = arith.constant 0 : i32
        %dma_start3A_159 = arith.constant 0 : i32
        %dma_start3A_160 = tpu.memref_slice %arg4[%dma_start3A_157, %dma_start3A_158, %dma_start3A_159] : memref<2x200x128xf32, #tpu.memory_space<vmem>> -> memref<1x200x128xf32, #tpu.memory_space<vmem>>
        %dma_start3A_161 = tpu.memref_squeeze %dma_start3A_160 : memref<1x200x128xf32, #tpu.memory_space<vmem>> -> memref<200x128xf32, #tpu.memory_space<vmem>>
        %dma_start3A_162 = arith.constant 0 : i32
        %dma_start3A_163 = tpu.memref_slice %arg2[%add3A_156, %dma_start3A_162] : memref<320000x128xf32, #tpu.memory_space<hbm>> -> memref<200x128xf32, #tpu.memory_space<hbm>>
        %dma_start3A_164 = arith.constant 0 : i32
        %dma_start3A_165 = arith.constant 0 : i32
        %dma_start3A_166 = tpu.memref_slice %arg4[%dma_start3A_157, %dma_start3A_164, %dma_start3A_165] : memref<2x200x128xf32, #tpu.memory_space<vmem>> -> memref<1x200x128xf32, #tpu.memory_space<vmem>>
        %dma_start3A_167 = tpu.memref_squeeze %dma_start3A_166 : memref<1x200x128xf32, #tpu.memory_space<vmem>> -> memref<200x128xf32, #tpu.memory_space<vmem>>
        %dma_start3A_168 = arith.constant 0 : i32
        %dma_start3A_169 = tpu.memref_slice %arg2[%add3A_156, %dma_start3A_168] : memref<320000x128xf32, #tpu.memory_space<hbm>> -> memref<200x128xf32, #tpu.memory_space<hbm>>
        tpu.enqueue_dma source(%dma_start3A_169 : memref<200x128xf32, #tpu.memory_space<hbm>>) target(%dma_start3A_167 : memref<200x128xf32, #tpu.memory_space<vmem>>) target_semaphore(%arg6 : memref<!tpu.dma_semaphore, #tpu.memory_space<semaphore_mem>>)
      } else {
      }
      %mul3A_121 = arith.constant 2 : i32
      %mul3A_122 = arith.muli %scan3A_83, %mul3A_121 : i32
      %add3A_123 = arith.constant 1 : i32
      %add3A_124 = arith.addi %mul3A_122, %add3A_123 : i32
      %mul3A_125 = arith.constant 200 : i32
      %mul3A_126 = arith.muli %add3A_124, %mul3A_125 : i32
      %add3A_127 = arith.addi %mul3A_2, %mul3A_126 : i32
      %dma_wait3A_128 = arith.constant 1 : i32
      %dma_wait3A_129 = arith.constant 0 : i32
      %dma_wait3A_130 = arith.constant 0 : i32
      %dma_wait3A_131 = tpu.memref_slice %arg4[%dma_wait3A_128, %dma_wait3A_129, %dma_wait3A_130] : memref<2x200x128xf32, #tpu.memory_space<vmem>> -> memref<1x200x128xf32, #tpu.memory_space<vmem>>
      %dma_wait3A_132 = tpu.memref_squeeze %dma_wait3A_131 : memref<1x200x128xf32, #tpu.memory_space<vmem>> -> memref<200x128xf32, #tpu.memory_space<vmem>>
      %dma_wait3A_133 = arith.constant 0 : i32
      %dma_wait3A_134 = tpu.memref_slice %arg2[%add3A_127, %dma_wait3A_133] : memref<320000x128xf32, #tpu.memory_space<hbm>> -> memref<200x128xf32, #tpu.memory_space<hbm>>
      %dma_wait3A_135 = arith.constant 0 : i32
      %dma_wait3A_136 = arith.constant 0 : i32
      %dma_wait3A_137 = tpu.memref_slice %arg4[%dma_wait3A_128, %dma_wait3A_135, %dma_wait3A_136] : memref<2x200x128xf32, #tpu.memory_space<vmem>> -> memref<1x200x128xf32, #tpu.memory_space<vmem>>
      %dma_wait3A_138 = tpu.memref_squeeze %dma_wait3A_137 : memref<1x200x128xf32, #tpu.memory_space<vmem>> -> memref<200x128xf32, #tpu.memory_space<vmem>>
      %dma_wait3A_139 = arith.constant 0 : i32
      %dma_wait3A_140 = tpu.memref_slice %arg2[%add3A_127, %dma_wait3A_139] : memref<320000x128xf32, #tpu.memory_space<hbm>> -> memref<200x128xf32, #tpu.memory_space<hbm>>
      tpu.wait_dma2 semaphore(%arg7 : memref<!tpu.dma_semaphore, #tpu.memory_space<semaphore_mem>>) src(%dma_wait3A_140 : memref<200x128xf32, #tpu.memory_space<hbm>>) dst(%dma_wait3A_138 : memref<200x128xf32, #tpu.memory_space<vmem>>)
      %scan3A_141 = arith.constant 0 : i32
      %scan3A_142 = arith.constant 200 : i32
      %scan3A_143 = arith.addi %scan3A_141, %scan3A_142 : i32
      %scan3A_144 = arith.constant 1 : i32
      %scan3A_145:8 = scf.for %scan3A_154 = %scan3A_141 to %scan3A_143 step %scan3A_144 iter_args(%scan3A_155 = %scan3A_115#0, %scan3A_156 = %scan3A_115#1, %scan3A_157 = %scan3A_115#2, %scan3A_158 = %scan3A_115#3, %scan3A_159 = %scan3A_115#4, %scan3A_160 = %scan3A_115#5, %scan3A_161 = %scan3A_115#6, %scan3A_162 = %scan3A_115#7) -> (vector<16xf32>, vector<16xf32>, vector<16xf32>, vector<16xf32>, vector<16xf32>, vector<16xf32>, vector<16xf32>, vector<16xf32>)  : i32 {
        %get3A = arith.constant 1 : i32
        %get3A_163 = arith.index_cast %get3A : i32 to index
        %get3A_164 = arith.index_cast %scan3A_154 : i32 to index
        %get3A_165 = arith.constant 0 : index
        %get3A_166 = tpu.vector_load %arg4[%get3A_163, %get3A_164, %get3A_165] {strides = array<i32>} : memref<2x200x128xf32, #tpu.memory_space<vmem>>, vector<1x1x16xf32>,
        %get3A_167 = vector.shape_cast %get3A_166 : vector<1x1x16xf32> to vector<16xf32>
        %add3A_168 = arith.addf %scan3A_155, %get3A_167 : vector<16xf32>
        %get3A_169 = arith.constant 1 : i32
        %get3A_170 = arith.index_cast %get3A_169 : i32 to index
        %get3A_171 = arith.index_cast %scan3A_154 : i32 to index
        %get3A_172 = arith.constant 16 : index
        %get3A_173 = tpu.vector_load %arg4[%get3A_170, %get3A_171, %get3A_172] {strides = array<i32>} : memref<2x200x128xf32, #tpu.memory_space<vmem>>, vector<1x1x16xf32>,
        %get3A_174 = vector.shape_cast %get3A_173 : vector<1x1x16xf32> to vector<16xf32>
        %add3A_175 = arith.addf %scan3A_156, %get3A_174 : vector<16xf32>
        %get3A_176 = arith.constant 1 : i32
        %get3A_177 = arith.index_cast %get3A_176 : i32 to index
        %get3A_178 = arith.index_cast %scan3A_154 : i32 to index
        %get3A_179 = arith.constant 32 : index
        %get3A_180 = tpu.vector_load %arg4[%get3A_177, %get3A_178, %get3A_179] {strides = array<i32>} : memref<2x200x128xf32, #tpu.memory_space<vmem>>, vector<1x1x16xf32>,
        %get3A_181 = vector.shape_cast %get3A_180 : vector<1x1x16xf32> to vector<16xf32>
        %add3A_182 = arith.addf %scan3A_157, %get3A_181 : vector<16xf32>
        %get3A_183 = arith.constant 1 : i32
        %get3A_184 = arith.index_cast %get3A_183 : i32 to index
        %get3A_185 = arith.index_cast %scan3A_154 : i32 to index
        %get3A_186 = arith.constant 48 : index
        %get3A_187 = tpu.vector_load %arg4[%get3A_184, %get3A_185, %get3A_186] {strides = array<i32>} : memref<2x200x128xf32, #tpu.memory_space<vmem>>, vector<1x1x16xf32>,
        %get3A_188 = vector.shape_cast %get3A_187 : vector<1x1x16xf32> to vector<16xf32>
        %add3A_189 = arith.addf %scan3A_158, %get3A_188 : vector<16xf32>
        %get3A_190 = arith.constant 1 : i32
        %get3A_191 = arith.index_cast %get3A_190 : i32 to index
        %get3A_192 = arith.index_cast %scan3A_154 : i32 to index
        %get3A_193 = arith.constant 64 : index
        %get3A_194 = tpu.vector_load %arg4[%get3A_191, %get3A_192, %get3A_193] {strides = array<i32>} : memref<2x200x128xf32, #tpu.memory_space<vmem>>, vector<1x1x16xf32>,
        %get3A_195 = vector.shape_cast %get3A_194 : vector<1x1x16xf32> to vector<16xf32>
        %add3A_196 = arith.addf %scan3A_159, %get3A_195 : vector<16xf32>
        %get3A_197 = arith.constant 1 : i32
        %get3A_198 = arith.index_cast %get3A_197 : i32 to index
        %get3A_199 = arith.index_cast %scan3A_154 : i32 to index
        %get3A_200 = arith.constant 80 : index
        %get3A_201 = tpu.vector_load %arg4[%get3A_198, %get3A_199, %get3A_200] {strides = array<i32>} : memref<2x200x128xf32, #tpu.memory_space<vmem>>, vector<1x1x16xf32>,
        %get3A_202 = vector.shape_cast %get3A_201 : vector<1x1x16xf32> to vector<16xf32>
        %add3A_203 = arith.addf %scan3A_160, %get3A_202 : vector<16xf32>
        %get3A_204 = arith.constant 1 : i32
        %get3A_205 = arith.index_cast %get3A_204 : i32 to index
        %get3A_206 = arith.index_cast %scan3A_154 : i32 to index
        %get3A_207 = arith.constant 96 : index
        %get3A_208 = tpu.vector_load %arg4[%get3A_205, %get3A_206, %get3A_207] {strides = array<i32>} : memref<2x200x128xf32, #tpu.memory_space<vmem>>, vector<1x1x16xf32>,
        %get3A_209 = vector.shape_cast %get3A_208 : vector<1x1x16xf32> to vector<16xf32>
        %add3A_210 = arith.addf %scan3A_161, %get3A_209 : vector<16xf32>
        %get3A_211 = arith.constant 1 : i32
        %get3A_212 = arith.index_cast %get3A_211 : i32 to index
        %get3A_213 = arith.index_cast %scan3A_154 : i32 to index
        %get3A_214 = arith.constant 112 : index
        %get3A_215 = tpu.vector_load %arg4[%get3A_212, %get3A_213, %get3A_214] {strides = array<i32>} : memref<2x200x128xf32, #tpu.memory_space<vmem>>, vector<1x1x16xf32>,
        %get3A_216 = vector.shape_cast %get3A_215 : vector<1x1x16xf32> to vector<16xf32>
        %add3A_217 = arith.addf %scan3A_162, %get3A_216 : vector<16xf32>
        scf.yield %add3A_168, %add3A_175, %add3A_182, %add3A_189, %add3A_196, %add3A_203, %add3A_210, %add3A_217 : vector<16xf32>, vector<16xf32>, vector<16xf32>, vector<16xf32>, vector<16xf32>, vector<16xf32>, vector<16xf32>, vector<16xf32>
      }
      %scan3A_146 = arith.constant 200 : i32
      %add3A_147 = arith.constant 2 : i32
      %add3A_148 = arith.addi %add3A_124, %add3A_147 : i32
      %lt3A_149 = arith.constant 50 : i32
      %lt3A_150 = arith.cmpi slt, %add3A_148, %lt3A_149 : i32
      %convert_element_type3A_151 = arith.extui %lt3A_150 : i1 to i32
      %cond3A_152 = arith.constant 0 : i32
      %cond3A_153 = arith.cmpi ne, %convert_element_type3A_151, %cond3A_152 : i32
      scf.if %cond3A_153 {
        %mul3A_154 = arith.constant 200 : i32
        %mul3A_155 = arith.muli %add3A_148, %mul3A_154 : i32
        %add3A_156 = arith.addi %mul3A_2, %mul3A_155 : i32
        %dma_start3A_157 = arith.constant 1 : i32
        %dma_start3A_158 = arith.constant 0 : i32
        %dma_start3A_159 = arith.constant 0 : i32
        %dma_start3A_160 = tpu.memref_slice %arg4[%dma_start3A_157, %dma_start3A_158, %dma_start3A_159] : memref<2x200x128xf32, #tpu.memory_space<vmem>> -> memref<1x200x128xf32, #tpu.memory_space<vmem>>
        %dma_start3A_161 = tpu.memref_squeeze %dma_start3A_160 : memref<1x200x128xf32, #tpu.memory_space<vmem>> -> memref<200x128xf32, #tpu.memory_space<vmem>>
        %dma_start3A_162 = arith.constant 0 : i32
        %dma_start3A_163 = tpu.memref_slice %arg2[%add3A_156, %dma_start3A_162] : memref<320000x128xf32, #tpu.memory_space<hbm>> -> memref<200x128xf32, #tpu.memory_space<hbm>>
        %dma_start3A_164 = arith.constant 0 : i32
        %dma_start3A_165 = arith.constant 0 : i32
        %dma_start3A_166 = tpu.memref_slice %arg4[%dma_start3A_157, %dma_start3A_164, %dma_start3A_165] : memref<2x200x128xf32, #tpu.memory_space<vmem>> -> memref<1x200x128xf32, #tpu.memory_space<vmem>>
        %dma_start3A_167 = tpu.memref_squeeze %dma_start3A_166 : memref<1x200x128xf32, #tpu.memory_space<vmem>> -> memref<200x128xf32, #tpu.memory_space<vmem>>
        %dma_start3A_168 = arith.constant 0 : i32
        %dma_start3A_169 = tpu.memref_slice %arg2[%add3A_156, %dma_start3A_168] : memref<320000x128xf32, #tpu.memory_space<hbm>> -> memref<200x128xf32, #tpu.memory_space<hbm>>
        tpu.enqueue_dma source(%dma_start3A_169 : memref<200x128xf32, #tpu.memory_space<hbm>>) target(%dma_start3A_167 : memref<200x128xf32, #tpu.memory_space<vmem>>) target_semaphore(%arg7 : memref<!tpu.dma_semaphore, #tpu.memory_space<semaphore_mem>>)
      } else {
      }
      scf.yield %scan3A_145#0, %scan3A_145#1, %scan3A_145#2, %scan3A_145#3, %scan3A_145#4, %scan3A_145#5, %scan3A_145#6, %scan3A_145#7 : vector<16xf32>, vector<16xf32>, vector<16xf32>, vector<16xf32>, vector<16xf32>, vector<16xf32>, vector<16xf32>, vector<16xf32>
    }
    %scan3A_51 = arith.constant 25 : i32
    %swap3A = arith.constant 0 : index
    %swap3A_52 = tpu.vector_load %arg5[%swap3A] {strides = array<i32>} : memref<128xf32, #tpu.memory_space<vmem>>, vector<16xf32>,
    %swap3A_53 = vector.shape_cast %swap3A_52 : vector<16xf32> to vector<16xf32>
    %swap3A_54 = vector.shape_cast %scan3A_50#0 : vector<16xf32> to vector<16xf32>
    tpu.vector_store %arg5[%swap3A], %swap3A_54 {strides = array<i32>} : memref<128xf32, #tpu.memory_space<vmem>>, vector<16xf32>,
    %swap3A_55 = arith.constant 16 : index
    %swap3A_56 = tpu.vector_load %arg5[%swap3A_55] {strides = array<i32>} : memref<128xf32, #tpu.memory_space<vmem>>, vector<16xf32>,
    %swap3A_57 = vector.shape_cast %swap3A_56 : vector<16xf32> to vector<16xf32>
    %swap3A_58 = vector.shape_cast %scan3A_50#1 : vector<16xf32> to vector<16xf32>
    tpu.vector_store %arg5[%swap3A_55], %swap3A_58 {strides = array<i32>} : memref<128xf32, #tpu.memory_space<vmem>>, vector<16xf32>,
    %swap3A_59 = arith.constant 32 : index
    %swap3A_60 = tpu.vector_load %arg5[%swap3A_59] {strides = array<i32>} : memref<128xf32, #tpu.memory_space<vmem>>, vector<16xf32>,
    %swap3A_61 = vector.shape_cast %swap3A_60 : vector<16xf32> to vector<16xf32>
    %swap3A_62 = vector.shape_cast %scan3A_50#2 : vector<16xf32> to vector<16xf32>
    tpu.vector_store %arg5[%swap3A_59], %swap3A_62 {strides = array<i32>} : memref<128xf32, #tpu.memory_space<vmem>>, vector<16xf32>,
    %swap3A_63 = arith.constant 48 : index
    %swap3A_64 = tpu.vector_load %arg5[%swap3A_63] {strides = array<i32>} : memref<128xf32, #tpu.memory_space<vmem>>, vector<16xf32>,
    %swap3A_65 = vector.shape_cast %swap3A_64 : vector<16xf32> to vector<16xf32>
    %swap3A_66 = vector.shape_cast %scan3A_50#3 : vector<16xf32> to vector<16xf32>
    tpu.vector_store %arg5[%swap3A_63], %swap3A_66 {strides = array<i32>} : memref<128xf32, #tpu.memory_space<vmem>>, vector<16xf32>,
    %swap3A_67 = arith.constant 64 : index
    %swap3A_68 = tpu.vector_load %arg5[%swap3A_67] {strides = array<i32>} : memref<128xf32, #tpu.memory_space<vmem>>, vector<16xf32>,
    %swap3A_69 = vector.shape_cast %swap3A_68 : vector<16xf32> to vector<16xf32>
    %swap3A_70 = vector.shape_cast %scan3A_50#4 : vector<16xf32> to vector<16xf32>
    tpu.vector_store %arg5[%swap3A_67], %swap3A_70 {strides = array<i32>} : memref<128xf32, #tpu.memory_space<vmem>>, vector<16xf32>,
    %swap3A_71 = arith.constant 80 : index
    %swap3A_72 = tpu.vector_load %arg5[%swap3A_71] {strides = array<i32>} : memref<128xf32, #tpu.memory_space<vmem>>, vector<16xf32>,
    %swap3A_73 = vector.shape_cast %swap3A_72 : vector<16xf32> to vector<16xf32>
    %swap3A_74 = vector.shape_cast %scan3A_50#5 : vector<16xf32> to vector<16xf32>
    tpu.vector_store %arg5[%swap3A_71], %swap3A_74 {strides = array<i32>} : memref<128xf32, #tpu.memory_space<vmem>>, vector<16xf32>,
    %swap3A_75 = arith.constant 96 : index
    %swap3A_76 = tpu.vector_load %arg5[%swap3A_75] {strides = array<i32>} : memref<128xf32, #tpu.memory_space<vmem>>, vector<16xf32>,
    %swap3A_77 = vector.shape_cast %swap3A_76 : vector<16xf32> to vector<16xf32>
    %swap3A_78 = vector.shape_cast %scan3A_50#6 : vector<16xf32> to vector<16xf32>
    tpu.vector_store %arg5[%swap3A_75], %swap3A_78 {strides = array<i32>} : memref<128xf32, #tpu.memory_space<vmem>>, vector<16xf32>,
    %swap3A_79 = arith.constant 112 : index
    %swap3A_80 = tpu.vector_load %arg5[%swap3A_79] {strides = array<i32>} : memref<128xf32, #tpu.memory_space<vmem>>, vector<16xf32>,
    %swap3A_81 = vector.shape_cast %swap3A_80 : vector<16xf32> to vector<16xf32>
    %swap3A_82 = vector.shape_cast %scan3A_50#7 : vector<16xf32> to vector<16xf32>
    tpu.vector_store %arg5[%swap3A_79], %swap3A_82 {strides = array<i32>} : memref<128xf32, #tpu.memory_space<vmem>>, vector<16xf32>,
    "tpu.region"() ({
      %run_scoped3A = tpu.sem_alloc : memref<!tpu.dma_semaphore, #tpu.memory_space<semaphore_mem>>
      %dma_start3A_83 = arith.constant 0 : i32
      %dma_start3A_84 = tpu.memref_slice %arg3[%add3A, %dma_start3A_83] : memref<32x128xf32, #tpu.memory_space<hbm>> -> memref<1x128xf32, #tpu.memory_space<hbm>>
      %dma_start3A_85 = tpu.memref_squeeze %dma_start3A_84 : memref<1x128xf32, #tpu.memory_space<hbm>> -> memref<128xf32, #tpu.memory_space<hbm>>
      %dma_start3A_86 = arith.constant 0 : i32
      %dma_start3A_87 = tpu.memref_slice %arg3[%add3A, %dma_start3A_86] : memref<32x128xf32, #tpu.memory_space<hbm>> -> memref<1x128xf32, #tpu.memory_space<hbm>>
      %dma_start3A_88 = tpu.memref_squeeze %dma_start3A_87 : memref<1x128xf32, #tpu.memory_space<hbm>> -> memref<128xf32, #tpu.memory_space<hbm>>
      tpu.enqueue_dma source(%arg5 : memref<128xf32, #tpu.memory_space<vmem>>) target(%dma_start3A_88 : memref<128xf32, #tpu.memory_space<hbm>>) target_semaphore(%run_scoped3A : memref<!tpu.dma_semaphore, #tpu.memory_space<semaphore_mem>>)
      %dma_wait3A = arith.constant 0 : i32
      %dma_wait3A_89 = tpu.memref_slice %arg3[%add3A, %dma_wait3A] : memref<32x128xf32, #tpu.memory_space<hbm>> -> memref<1x128xf32, #tpu.memory_space<hbm>>
      %dma_wait3A_90 = tpu.memref_squeeze %dma_wait3A_89 : memref<1x128xf32, #tpu.memory_space<hbm>> -> memref<128xf32, #tpu.memory_space<hbm>>
      %dma_wait3A_91 = arith.constant 0 : i32
      %dma_wait3A_92 = tpu.memref_slice %arg3[%add3A, %dma_wait3A_91] : memref<32x128xf32, #tpu.memory_space<hbm>> -> memref<1x128xf32, #tpu.memory_space<hbm>>
      %dma_wait3A_93 = tpu.memref_squeeze %dma_wait3A_92 : memref<1x128xf32, #tpu.memory_space<hbm>> -> memref<128xf32, #tpu.memory_space<hbm>>
      tpu.wait_dma2 semaphore(%run_scoped3A : memref<!tpu.dma_semaphore, #tpu.memory_space<semaphore_mem>>) src(%arg5 : memref<128xf32, #tpu.memory_space<vmem>>) dst(%dma_wait3A_93 : memref<128xf32, #tpu.memory_space<hbm>>)
      tpu.yield
    }) : () -> ()
    return
  }
}

</mosaic_0001>

<sc_bundles>
// kernel: kernel.3.cloned.1.call-start
scs
__scs_entry_jumppad:
0x0: {  	(pc) =	sbr.rel $0x88, $3  }
0x1: {  	(tag) =	ssettag $0x0;
	lr =	simm.s32 $0x1  }
0x2: {  	[smem:$0x3FA0] =	sst lr;
	_ =	strace $0xD0000000  }
0x3: {  	_ = 	snop  }
0x4: {  	_ = 	snop  }
0x5: {  	_ = 	snop  }
0x6: {  	_ = 	snop  }
0x7: {  	_ = 	snop  }
__scs_overlays_trampoline_lowered:
0x8: {  	[smem:$0x3FAF] =	sst s0  }
0x9: {  	[smem:$0x3FB0] =	sst s1  }
0xa: {  	[smem:$0x3FB1] =	sst s2  }
0xb: {  	[smem:$0x3FB2] =	sst s3  }
0xc: {  	[smem:$0x3FB3] =	sst s4  }
0xd: {  	[smem:$0x3FB4] =	sst s5  }
0xe: {  	[smem:$0x3FB5] =	sst s6  }
0xf: {  	[smem:$0x3FB6] =	sst s7  }
0x10: {  	[smem:$0x3FB7] =	sst s8  }
0x11: {  	[smem:$0x3FB8] =	sst s9;
	s0 =	simm.s32 @!p0 $0x0  }
0x12: {  	s1 =	sld [smem:$0x3F9E];
	s0 =	simm.s32 @p0 $0x1  }
0x13: {  	[smem:$0x3FB9] =	sst s0;
	s0 =	simm.s32 @!p1 $0x0  }
0x14: {  	s2 =	sld [smem:$0x3F9D];
	s0 =	simm.s32 @p1 $0x1  }
0x15: {  	[smem:$0x3FBA] =	sst s0;
	s0 =	simm.s32 @!p2 $0x0  }
0x16: {  	s3 =	sld [smem:$0x3FDB];
	s0 =	simm.s32 @p2 $0x1  }
0x17: {  	s4 =	simm.s32 $0x1BF5;
	[smem:$0x3FBC] =	sst s0  }
0x18: {  	s0 =	sld [smem:$0x3F9F];
	_ =	swait.ge [sflag:s4], $0x0  }
0x19: {  	s7 =	sld [smem:$0x3FA0]  }
0x1a: {  	s8 =	sadd.s32 $0xFFFFE003, lr  }
0x1b: {  	s9 =	sadd.s32 $0xFFFFFEF7, lr;
	s5 =	simm.s32 $0xFFFFFFFF;
	p2 =	slt.u32 s8, $0xFFFFF086  }
0x1c: {  	p1 =	slt.u32 s9, $0xF7A;
	s5 =	simm.s32 @!p2 $0x0  }
0x1d: {  	s5 =	simm.s32 @p1 $0x1;
	p0 =	seq.s32 s7, s2  }
0x1e: {  	s7 =	smul.u32 @!p0 $0xF7A, s2;
	p2 =	seq.s32 @!p0 s5, $0x0  }
0x1f: {  	s9 =	smul.u32 $0xF7A, s1;
	s8 =	simm.s32 @!p0 $0x1BF5;
	p2 =	por !p2, p0  }
0x20: {  	[sflag:s8] =	ssyncset.s32 @!p0 $0xFFFFF086;
	s6 =	sadd.s32 @!p0 s3, s7;
	s7 =	simm.s32 @!p0 $0x108  }
0x21: {  	s3 =	sadd.s32 s3, s9;
	s6 =	sadd.s32 @!p0 $0x88, s6;
	s7 =	simm.s32 @p2 $0x1082  }
0x22: {  	[simem:s7], [sflag:s8] =	dma.local @!p0 [hbm:s6], $0xF7A  }
0x23: {  	s9 =	sor.u32 $0xD0000000, s2;
	s6 =	simm.s32 $0x108;
	_ =	swait.ge @!p0 [sflag:s8], $0x0  }
0x24: {  	s3 =	sadd.s32 $0x88, s3;
	s6 =	simm.s32 @!p1 $0x1082;
	[sflag:s4] =	ssyncset.s32 $0xFFFFF086  }
0x25: {  	[simem:s6], [sflag:s4] =	dma.local [hbm:s3], $0xF7A  }
0x26: {  	[smem:$0x3FA0] =	sst s1;
	(tag) =	ssettag s2;
	_ =	strace s9  }
0x27: {  	s1 =	sld [smem:$0x3FB0]  }
0x28: {  	s2 =	sld [smem:$0x3FB1]  }
0x29: {  	s4 =	sld [smem:$0x3FB3]  }
0x2a: {  	p0 =	seq.s32 s5, $0x0;
	s5 =	sld [smem:$0x3FB4]  }
0x2b: {  	s6 =	sld [smem:$0x3FB5]  }
0x2c: {  	s7 =	sld [smem:$0x3FB6]  }
0x2d: {  	s3 =	simm.s32 $0x108;
	s8 =	sld [smem:$0x3FB7]  }
0x2e: {  	s3 =	simm.s32 @!p0 $0x1082;
	s9 =	sld [smem:$0x3FB8]  }
0x2f: {  	lr =	sadd.s32 s0, s3;
	s0 =	sld [smem:$0x3FAF]  }
0x30: {  	s3 =	sld [smem:$0x3FB2]  }
0x31: {  	[smem:$0x3FBB] =	sst s10  }
0x32: {  	s10 =	sld [smem:$0x3FB9];
	_ =	sdelay $0x3  }
0x33: {  	p0 =	seq.s32 s10, $0x1;
	s10 =	sld [smem:$0x3FBB];
	_ =	sdelay $0x3  }
0x34: {  	[smem:$0x3FBB] =	sst s10  }
0x35: {  	s10 =	sld [smem:$0x3FBA];
	_ =	sdelay $0x3  }
0x36: {  	p1 =	seq.s32 s10, $0x1;
	s10 =	sld [smem:$0x3FBB];
	_ =	sdelay $0x3  }
0x37: {  	[smem:$0x3FBB] =	sst s10  }
0x38: {  	s10 =	sld [smem:$0x3FBC]  }
0x39: {  	_ = 	snop;
	(pc) =	sbr.ind lr, $3  }
0x3a: {  	_ = 	snop  }
0x3b: {  	_ = 	snop  }
0x3c: {  	p2 =	seq.s32 s10, $0x1;
	s10 =	sld [smem:$0x3FBB]  }
0x3d: {  	_ =	shalt  }
0x3e: {  	_ =	shalt  }
0x3f: {  	_ =	shalt  }
0x40: {  	_ =	shalt  }
0x41: {  	_ =	shalt  }
0x42: {  	_ =	shalt  }
0x43: {  	_ =	shalt  }
0x44: {  	_ =	shalt  }
0x45: {  	_ =	shalt  }
0x46: {  	_ =	shalt  }
0x47: {  	_ =	shalt  }
0x48: {  	_ =	shalt  }
0x49: {  	_ =	shalt  }
0x4a: {  	_ =	shalt  }
0x4b: {  	_ =	shalt  }
0x4c: {  	_ =	shalt  }
0x4d: {  	_ =	shalt  }
0x4e: {  	_ =	shalt  }
0x4f: {  	_ =	shalt  }
0x50: {  	_ =	shalt  }
0x51: {  	_ =	shalt  }
0x52: {  	_ =	shalt  }
0x53: {  	_ =	shalt  }
0x54: {  	_ =	shalt  }
0x55: {  	_ =	shalt  }
0x56: {  	_ =	shalt  }
0x57: {  	_ =	shalt  }
0x58: {  	_ =	shalt  }
0x59: {  	_ =	shalt  }
0x5a: {  	_ =	shalt  }
0x5b: {  	_ =	shalt  }
0x5c: {  	_ =	shalt  }
0x5d: {  	_ =	shalt  }
0x5e: {  	_ =	shalt  }
0x5f: {  	_ =	shalt  }
0x60: {  	_ =	shalt  }
0x61: {  	_ =	shalt  }
0x62: {  	_ =	shalt  }
0x63: {  	_ =	shalt  }
0x64: {  	_ =	shalt  }
0x65: {  	_ =	shalt  }
0x66: {  	_ =	shalt  }
0x67: {  	_ =	shalt  }
0x68: {  	_ =	shalt  }
0x69: {  	_ =	shalt  }
0x6a: {  	_ =	shalt  }
0x6b: {  	_ =	shalt  }
0x6c: {  	_ =	shalt  }
0x6d: {  	_ =	shalt  }
0x6e: {  	_ =	shalt  }
0x6f: {  	_ =	shalt  }
0x70: {  	_ =	shalt  }
0x71: {  	_ =	shalt  }
0x72: {  	_ =	shalt  }
0x73: {  	_ =	shalt  }
0x74: {  	_ =	shalt  }
0x75: {  	_ =	shalt  }
0x76: {  	_ =	shalt  }
0x77: {  	_ =	shalt  }
0x78: {  	_ =	shalt  }
0x79: {  	_ =	shalt  }
0x7a: {  	_ =	shalt  }
0x7b: {  	_ =	shalt  }
0x7c: {  	_ =	shalt  }
0x7d: {  	_ =	shalt  }
0x7e: {  	_ =	shalt  }
0x7f: {  	_ =	shalt  }
0x80: {  	_ =	shalt  }
0x81: {  	_ =	shalt  }
0x82: {  	_ =	shalt  }
0x83: {  	_ =	shalt  }
0x84: {  	_ =	shalt  }
0x85: {  	_ =	shalt  }
0x86: {  	_ =	shalt  }
0x87: {  	_ =	shalt  }
.Lfunc_end0:
.L_simem_size_0:
called_computation_lowered:
.L_overlay_start_0:
0x88: {  	s2 =	sld [smem:$0x3FD9]  }
0x89: {  	s3 =	sld [smem:$0x3FFE];
	_ =	sdelay $0x1  }
0x8a: {  	s1 =	srdreg.scid  }
0x8b: {  	s0 =	sand.u32 $0x1, s1  }
0x8c: {  	s17 =	sshll.u32 s0, $0xA;
	s2 =	sadd.s32 s3, s2  }
0x8d: {  	s2 =	sadd.s32 s2, s17  }
0x8e: {  	[smem:$0x3FC7] =	sst s2  }
0x8f: {  	_ = 	snop  }
0x90: {  	s2 =	sld [smem:$0x3FC9];
	(tm) =	ssettm $0x1  }
0x91: {  	s18 =	sld [smem:$0x3FFB];
	_ =	sdelay $0x3  }
0x92: {  	_ =	strace s18  }
0x93: {  	s3 =	sld [smem:$0x3FFC];
	_ =	sdelay $0x3  }
0x94: {  	_ =	strace s3  }
0x95: {  	s3 =	sld [smem:$0x3FFD];
	_ =	sdelay $0x3  }
0x96: {  	_ =	strace s3  }
0x97: {  	_ =	strace $0x8FFFFFFF  }
0x98: {  	s19 =	sld [smem:$0x3FDB];
	_ =	sdelay $0x1  }
0x99: {  	s4 =	simm.s32 $_scs_section_size  }
0x9a: {  	s5 =	simm.s32 $_size__tile_overlayer_lowered;
	s6 =	simm.s32 $_tile_overlayer_lowered  }
0x9b: {  	s22 =	simm.s32 $0x1BFF;
	s21 =	sshll.u32 s6, $0x1;
	s3 =	sadd.s32 s4, s19  }
0x9c: {  	s7 =	simm.s32 $0x0;
	s20 =	sshll.u32 s5, $0x1;
	s5 =	sadd.s32 s21, s3  }
0x9d: {  	[timem:s7], [sflag:s22] =	dma.local [hbm:s5], s20  }
0x9e: {  	_ =	swait.ge [sflag:s22], s20  }
0x9f: {  	s4 =	ssub.s32 $0x0, s20;
	[sflag:s22] =	ssyncset.done $0x0  }
0xa0: {  	[sflag:s22] =	ssyncadd.s32 s4;
	_ =	sdelay $0x1  }
0xa1: {  	s23 =	simm.s32 $0x1B8B  }
0xa2: {  	_ =	swait.ge [sflag:s23], $0x1  }
0xa3: {  	[sflag:s23] =	ssyncset.done $0x0  }
0xa4: {  	s25 =	simm.s32 $0x1B8E;
	s24 =	sld [smem:$0x3FFE];
	[sflag:s23] =	ssyncadd.s32 $0xFFFFFFFF  }
0xa5: {  	s26 =	simm.s32 $execute0_lowered;
	[smem:$0x3FD2] =	sst s25  }
0xa6: {  	s5 =	sshll.u32 s26, $0x1;
	_ =	strace $0x80000046;
	[dreg:$0x1] =	wrdreg $0xFFFFFFFF  }
0xa7: {  	s28 =	simm.s32 $_size_execute0_lowered;
	s3 =	sadd.s32 s3, s5;
	[dreg:$0x0] =	wrdreg $0x0  }
0xa8: {  	s5 =	sshll.u32 s28, $0x1;
	[dreg:$0x2] =	wrdreg s3  }
0xa9: {  	[dreg:$0x3] =	wrdreg s5  }
0xaa: {  	[dreg:$0x4] =	wrdreg $0xC0  }
0xab: {  	_ =	task [dreg:s7], $0x5FFFF  }
0xac: {  	[dreg:$0x1] =	wrdreg $0xFFFFFFFF  }
0xad: {  	[dreg:$0x0] =	wrdreg $0x60  }
0xae: {  	[dreg:$0x2] =	wrdreg s2  }
0xaf: {  	[dreg:$0x3] =	wrdreg s24  }
0xb0: {  	[dreg:$0x4] =	wrdreg $0x9  }
0xb1: {  	_ =	task.clear_ibuf [dreg:s7], $0x5FFFF;
	_ =	strace $0x90000046  }
0xb2: {  	s29 =	simm.s32 $0x9;
	_ =	strace $0x80000048  }
0xb3: {  	_ =	swait.ge [sflag:s29], $0x1  }
0xb4: {  	[sflag:s29] =	ssyncadd.s32 $0xFFFFFFFF  }
0xb5: {  	_ =	strace $0x90000048  }
0xb6: {  	_ =	sfence  }
0xb7: {  	s30 =	sld [smem:$0x0];
	_ =	sdelay $0x2  }
0xb8: {  	s31 =	sshll.u32 s1, $0xD;
	s1 =	sshrl.u32 s1, $0x2  }
0xb9: {  	s3 =	sand.u32 $0x4000, s31;
	s1 =	sadd.s32 s1, s30  }
0xba: {  	s0 =	sor.u32 s3, s0;
	s1 =	sshll.u32 s1, $0x11  }
0xbb: {  	s0 =	sor.u32 s1, s0  }
0xbc: {  	s0 =	sadd.s32 $0x8F2B, s0  }
0xbd: {  	[sflag:s0] =	ssyncadd.remote.s32 $0x1  }
0xbe: {  	_ =	sfence.sel $0xFFFF  }
0xbf: {  	[dreg:$0x0] =	wrdreg $0xFFFFFFFF;
	(pc) =	sbr.abs _section_cstart, $3  }
0xc0: {  	[dreg:$0x1] =	wrdreg $0xFFFFFFFF  }
0xc1: {  	_ =	task.clear_ibuf [dreg:s7], $0x2FFFF;
	_ =	strace $0x9FFFFFFF  }
0xc2: {  	(tm) =	ssettm $0x7FFFFFFF  }
0xc3: {  	_ =	shalt  }
tec
execute0_lowered:
.L_overlay_start_1:
0x0: {  	(tag) =	ssettag $0x1  }
0x1: {  	s2 =	rddreg [dreg:$0x0]  }
0x2: {  	s1 =	srdreg.scid;
	s0 =	stileid.u32  }
0x3: {  	s8 =	rddreg [dreg:$0x1];
	s3 =	simm.s32 $0x0;
	s12 =	simm.s32 $0x2  }
0x4: {  	s13 =	simm.s32 $0xC800;
	s4 =	sand.u32 $0x1, s1;
	s5 =	sshll.u32 s0, $0x1  }
0x5: {  	s14 =	simm.s32 $0x3;
	s1 =	rddreg [dreg:$0x2];
	s7 =	sor.u32 s4, s5  }
0x6: {  	s15 =	simm.s32 $0x0;
	[smem:$0x7FF] =	sst s3;
	s5 =	smul.u32 $0x138800, s7  }
0x7: {  	_ =	strace $0x80000047;
	s4 =	ssub.s32 $0x2, s4;
	s6 =	smul.u32 $0x27100, s7  }
.Ltmp0:
0x8: {  	s9 =	sshrl.u32 s4, $0x1;
	s11 =	sshll.u32 s7, $0x4;
	(pc) =	sbr.rel .LBB2_1-.Ltmp0, $4  }
0x9: {  	s10 =	smul.u32 $0x2710, s7;
	s9 =	ssub.s32 s4, s9;
	s8 =	sadd.s32 s8, s11  }
0xa: {  	s11 =	simm.s32 $0x1;
	s5 =	sshrl.u32 s5, $0x3;
	s4 =	sadd.s32 s2, s6  }
0xb: {  	s6 =	sadd.s32 $0x190, s10;
	s7 =	sadd.s32 $0x258, s10;
	s5 =	sadd.s32 s2, s5  }
0xc: {  	s9 =	smax.u32 s9, $0x1;
	s10 =	simm.s32 $0x6400;
	s5 =	sadd.s32 $0xC80, s5  }
.LBB2_8:
0xd: {  	[tilespmem:$0xC800] =	vst v6  }
0xe: {  	[tilespmem:$0xC810] =	vst v7  }
0xf: {  	[tilespmem:$0xC820] =	vst v4  }
0x10: {  	[tilespmem:$0xC830] =	vst v3  }
0x11: {  	[tilespmem:$0xC840] =	vst v2  }
0x12: {  	[tilespmem:$0xC850] =	vst v1;
	s15 =	sadd.s32 $0x1, s15  }
0x13: {  	[tilespmem:$0xC860] =	vst v0;
	p0 =	sne.s32 s15, s9  }
.Ltmp1:
0x14: {  	[tilespmem:$0xC870] =	vst v5;
	(pc) =	sbr.rel @!p0 .LBB2_9-.Ltmp1, $4  }
0x15: {  	[hbm4b:s8+s3] =	stream.linear.scatter [tilespmem:s13], [sflag:$0x3], $0x80, $0x38;
	[tilespmem:$0xC880] =	vst v63  }
0x16: {  	_ =	swait.ge [sflag:s14], $0x80  }
0x17: {  	[sflag:s14] =	ssyncset.done $0x0  }
0x18: {  	[sflag:s14] =	ssyncadd.s32 $0xFFFFFF80  }
.LBB2_1:
0x19: {  	[tilespmem:s3], [sflag:$0x1] =	stream.linear.gather [hbm4b:s4+s3], $0x6400, $0x38;
	v5 =	vimm.f32 $0.0e+00;
	v0 =	vimm.f32 $0.0e+00;
	[tilespmem:$0xC880] =	vst v63  }
0x1a: {  	v1 =	vimm.f32 $0.0e+00;
	v2 =	vimm.f32 $0.0e+00;
	v3 =	vimm.f32 $0.0e+00;
	s16 =	simm.s32 $0x0  }
0x1b: {  	v4 =	vimm.f32 $0.0e+00;
	v7 =	vimm.f32 $0.0e+00;
	v6 =	vimm.f32 $0.0e+00;
	[tilespmem:s10], [sflag:$0x2] =	stream.linear.gather [hbm4b:s5+s3], $0x6400, $0x38;
	[tilespmem:$0xC880] =	vst v63  }
.LBB2_2:
0x1c: {  	_ =	swait.ge [sflag:s11], $0x6400  }
0x1d: {  	[sflag:s11] =	ssyncset.done $0x0  }
0x1e: {  	s19 =	simm.s32 $0x0;
	[sflag:s11] =	ssyncadd.s32 $0xFFFF9C00  }
0x1f: {  	v11 =	vld [tilespmem:s19+$0x70]  }
0x20: {  	v12 =	vld [tilespmem:s19+$0x0]  }
0x21: {  	v13 =	vld [tilespmem:s19+$0x10]  }
0x22: {  	v9 =	vld [tilespmem:s19+$0x20]  }
0x23: {  	v10 =	vld [tilespmem:s19+$0x30]  }
0x24: {  	v8 =	vld [tilespmem:s19+$0x40]  }
0x25: {  	v5 =	vadd.f32 v11, v5;
	v11 =	vld [tilespmem:s19+$0x50]  }
0x26: {  	s17 =	simm.s32 $0x80;
	s18 =	simm.s32 $0x400;
	v6 =	vadd.f32 v12, v6;
	v7 =	vadd.f32 v13, v7;
	v12 =	vld [tilespmem:s19+$0x60]  }
.LBB2_3:
0x27: {  	p0 =	sne.s32 s18, $0x18E00;
	v13 =	vld [tilespmem:s17+$0x70];
	v4 =	vadd.f32 v9, v4  }
0x28: {  	v14 =	vld [tilespmem:s17+$0x0];
	v3 =	vadd.f32 v10, v3  }
0x29: {  	v15 =	vld [tilespmem:s17+$0x10];
	v2 =	vadd.f32 v8, v2  }
.Ltmp2:
0x2a: {  	v9 =	vld [tilespmem:s17+$0x20];
	v1 =	vadd.f32 v11, v1;
	(pc) =	sbr.rel @p0 .LBB2_3-.Ltmp2, $4  }
0x2b: {  	v10 =	vld [tilespmem:s17+$0x30];
	v0 =	vadd.f32 v12, v0  }
0x2c: {  	v8 =	vld [tilespmem:s17+$0x40];
	v5 =	vadd.f32 v13, v5  }
0x2d: {  	v6 =	vadd.f32 v14, v6;
	v11 =	vld [tilespmem:s17+$0x50]  }
0x2e: {  	v7 =	vadd.f32 v15, v7;
	v12 =	vld [tilespmem:s17+$0x60];
	s17 =	sshra.s32 s18, $0x2;
	s18 =	sadd.s32 $0x200, s18  }
0x2f: {  	v13 =	vld [tilespmem:s17+$0x70]  }
0x30: {  	v14 =	vld [tilespmem:s17+$0x0]  }
0x31: {  	v15 =	vld [tilespmem:s17+$0x10];
	p0 =	seq.s32 s16, $0x18  }
0x32: {  	v16 =	vld [tilespmem:s17+$0x20];
	s18 =	smul.u32 @!p0 $0x190, s16  }
0x33: {  	v17 =	vld [tilespmem:s17+$0x30]  }
0x34: {  	v18 =	vld [tilespmem:s17+$0x40];
	s18 =	sadd.s32 @!p0 s18, s6  }
0x35: {  	v19 =	vld [tilespmem:s17+$0x50];
	s18 =	sshll.u32 @!p0 s18, $0x4  }
0x36: {  	v20 =	vld [tilespmem:s17+$0x60];
	s17 =	sadd.s32 @!p0 s2, s18;
	s18 =	simm.s32 @!p0 $0x0  }
0x37: {  	[tilespmem:s18], [sflag:$0x1] =	stream.linear.gather @!p0 [hbm4b:s17+s18], $0x6400, $0x38;
	[tilespmem:$0xC880] =	vst v63  }
0x38: {  	_ =	swait.ge [sflag:s12], $0x6400  }
0x39: {  	[sflag:s12] =	ssyncset.done $0x0  }
0x3a: {  	s19 =	simm.s32 $0x0;
	[sflag:s12] =	ssyncadd.s32 $0xFFFF9C00  }
0x3b: {  	v4 =	vadd.f32 v9, v4;
	v3 =	vadd.f32 v10, v3;
	v21 =	vld [tilespmem:s19+$0x6470]  }
0x3c: {  	v10 =	vadd.f32 v8, v2;
	v1 =	vadd.f32 v11, v1;
	v22 =	vld [tilespmem:s19+$0x6400]  }
0x3d: {  	v11 =	vadd.f32 v12, v0;
	v5 =	vadd.f32 v13, v5;
	v12 =	vld [tilespmem:s19+$0x6410]  }
0x3e: {  	v6 =	vadd.f32 v14, v6;
	v7 =	vadd.f32 v15, v7;
	v8 =	vld [tilespmem:s19+$0x6420]  }
0x3f: {  	v2 =	vadd.f32 v16, v4;
	v0 =	vadd.f32 v17, v3;
	v9 =	vld [tilespmem:s19+$0x6430]  }
0x40: {  	v3 =	vadd.f32 v18, v10;
	v1 =	vadd.f32 v19, v1;
	v10 =	vld [tilespmem:s19+$0x6440]  }
0x41: {  	v4 =	vadd.f32 v20, v11;
	v11 =	vld [tilespmem:s19+$0x6450];
	v5 =	vadd.f32 v21, v5  }
0x42: {  	s17 =	simm.s32 $0x80;
	s18 =	simm.s32 $0x400;
	v6 =	vadd.f32 v22, v6;
	v7 =	vadd.f32 v12, v7;
	v12 =	vld [tilespmem:s19+$0x6460]  }
.LBB2_5:
0x43: {  	p1 =	sne.s32 s18, $0x18E00;
	v13 =	vld [tilespmem:s17+$0x6470];
	v2 =	vadd.f32 v8, v2  }
0x44: {  	v14 =	vld [tilespmem:s17+$0x6400];
	v0 =	vadd.f32 v9, v0  }
0x45: {  	v15 =	vld [tilespmem:s17+$0x6410];
	v3 =	vadd.f32 v10, v3  }
.Ltmp3:
0x46: {  	v8 =	vld [tilespmem:s17+$0x6420];
	v1 =	vadd.f32 v11, v1;
	(pc) =	sbr.rel @p1 .LBB2_5-.Ltmp3, $4  }
0x47: {  	v9 =	vld [tilespmem:s17+$0x6430];
	v4 =	vadd.f32 v12, v4  }
0x48: {  	v10 =	vld [tilespmem:s17+$0x6440];
	v5 =	vadd.f32 v13, v5  }
0x49: {  	v6 =	vadd.f32 v14, v6;
	v11 =	vld [tilespmem:s17+$0x6450]  }
0x4a: {  	v7 =	vadd.f32 v15, v7;
	v12 =	vld [tilespmem:s17+$0x6460];
	s17 =	sshra.s32 s18, $0x2;
	s18 =	sadd.s32 $0x200, s18  }
0x4b: {  	v13 =	vld [tilespmem:s17+$0x6470]  }
0x4c: {  	v14 =	vld [tilespmem:s17+$0x6400]  }
0x4d: {  	v15 =	vld [tilespmem:s17+$0x6410]  }
0x4e: {  	v16 =	vld [tilespmem:s17+$0x6420]  }
0x4f: {  	v17 =	vld [tilespmem:s17+$0x6430]  }
0x50: {  	v18 =	vld [tilespmem:s17+$0x6440]  }
0x51: {  	v2 =	vadd.f32 v8, v2;
	v8 =	vld [tilespmem:s17+$0x6450]  }
0x52: {  	v62 =	vld [tilespmem:s17+$0x6460];
	v0 =	vadd.f32 v9, v0;
	v61 =	vadd.f32 v10, v3  }
.Ltmp4:
0x53: {  	v1 =	vadd.f32 v11, v1;
	v63 =	vadd.f32 v12, v4;
	(pc) =	sbr.rel @p0 .LBB2_8-.Ltmp4, $4  }
0x54: {  	v5 =	vadd.f32 v13, v5;
	v6 =	vadd.f32 v14, v6  }
0x55: {  	v7 =	vadd.f32 v15, v7;
	v4 =	vadd.f32 v16, v2  }
0x56: {  	v3 =	vadd.f32 v17, v0;
	v2 =	vadd.f32 v18, v61  }
0x57: {  	v1 =	vadd.f32 v8, v1;
	v0 =	vadd.f32 v62, v63  }
0x58: {  	s17 =	smul.u32 $0x190, s16  }
.Ltmp5:
0x59: {  	_ = 	snop;
	(pc) =	sbr.rel .LBB2_2-.Ltmp5, $4  }
0x5a: {  	s17 =	sadd.s32 s17, s7  }
0x5b: {  	s17 =	sshll.u32 s17, $0x4  }
0x5c: {  	s16 =	sadd.s32 $0x1, s16;
	s17 =	sadd.s32 s2, s17  }
0x5d: {  	[tilespmem:s10], [sflag:$0x2] =	stream.linear.gather [hbm4b:s17+s3], $0x6400, $0x38;
	[tilespmem:$0xC880] =	vst v63  }
.LBB2_9:
0x5e: {  	_ =	sfence.sel $0x180000  }
0x5f: {  	[bflag:$0x0] =	sbarrier.arrive $0xFFFF  }
0x60: {  	p0 =	sne.s32 s0, $0x0;
	_ =	strace $0x90000047  }
0x61: {  	s0 =	sadd.s32 @!p0 $0x100000, s1;
	[bflag:$0x2] =	sbarrier.arrive $0xFFFF  }
0x62: {  	[sflag:s0] =	ssyncadd.tile.s32 @!p0 $0x1;
	_ =	shalt  }
.Lfunc_end2:
_tile_overlayer_lowered:
.L_overlay_start_2:
0x63: {  	(tag) =	ssettag $0x2  }
0x64: {  	s0 =	rddreg [dreg:$0x0];
	s2 =	stileid.u32  }
0x65: {  	s1 =	rddreg [dreg:$0x1];
	p0 =	sne.s32 s2, $0x0  }
0x66: {  	s3 =	rddreg [dreg:$0x2];
	[bflag:$0x3] =	sbarrier.arrive $0xFFFF;
	s2 =	simm.s32 @!p0 $0x1C03  }
0x67: {  	[timem:s3], [sflag:s2] =	dma.local @!p0 [hbm:s0], s1  }
0x68: {  	s0 =	simm.s32 @!p0 $0x3  }
0x69: {  	_ =	swait.ge @!p0 [sflag:s0], s1  }
0x6a: {  	s1 =	ssub.s32 @!p0 $0x0, s1;
	[sflag:s0] =	ssyncset.done @!p0 $0x0  }
0x6b: {  	[sflag:s0] =	ssyncadd.s32 @!p0 s1  }
0x6c: {  	[bflag:$0x3] =	sbarrier.arrive $0xFFFF  }
0x6d: {  	_ =	shalt  }

</sc_bundles>
